<compile_context>
chip_gen: v7x
topology: tpu7x:2x2x1
jax: 0.10.2.dev20260603
libtpu: 0.0.44.dev20260713+nightly
codegen_flags: <defaults>
</compile_context>

<pallas_src>
import functools

import jax
import jax.numpy as jnp
from jax.experimental import pallas as pl
from jax.experimental.pallas import tpu as pltpu
from jax.experimental.pallas import tpu_sc as plsc

_B, _L = 4096, 50
_R = _B * _L
_D = 64
_H = 256
_C = 1000
_EPS = 1e-5

_BB = 128
_RB = _BB * _L
_NB = _B // _BB

_NW = 32
_PW = _R // _NW
_CH = 400
_NCH = _PW // _CH
_DW = 2 * _D


def _sc_gather(cat, idx1, idx2):
    mesh = plsc.VectorSubcoreMesh(core_axis_name="c", subcore_axis_name="s")

    @functools.partial(
        pl.kernel,
        out_type=(
            jax.ShapeDtypeStruct((_R, _DW), jnp.float32),
            jax.ShapeDtypeStruct((_R, _DW), jnp.float32),
        ),
        mesh=mesh,
        scratch_types=[
            pltpu.VMEM((_CH,), jnp.int32),
            pltpu.VMEM((_CH,), jnp.int32),
            pltpu.VMEM((_CH, _DW), jnp.float32),
            pltpu.VMEM((_CH, _DW), jnp.float32),
            pltpu.SemaphoreType.DMA,
            pltpu.SemaphoreType.DMA,
        ],
    )
    def k(cat_hbm, i1_hbm, i2_hbm, o1_hbm, o2_hbm,
          idx1_v, idx2_v, rows1_v, rows2_v, sem1, sem2):
        wid = jax.lax.axis_index("s") * 2 + jax.lax.axis_index("c")

        @pl.loop(0, _NCH)
        def _(c):
            base = wid * _PW + c * _CH
            pltpu.sync_copy(i1_hbm.at[pl.ds(base, _CH)], idx1_v)
            pltpu.sync_copy(i2_hbm.at[pl.ds(base, _CH)], idx2_v)
            cp1 = pltpu.async_copy(cat_hbm.at[idx1_v], rows1_v, sem1)
            cp2 = pltpu.async_copy(cat_hbm.at[idx2_v], rows2_v, sem2)
            cp1.wait()
            cp2.wait()
            pltpu.sync_copy(rows1_v, o1_hbm.at[pl.ds(base, _CH)])
            pltpu.sync_copy(rows2_v, o2_hbm.at[pl.ds(base, _CH)])

    return k(cat, idx1, idx2)


def _tc_a_body(x1_ref, x2_ref, w1_ref, b1_ref, xcb_ref, stats_ref, acc_ref):
    i = pl.program_id(0)

    @pl.when(i == 0)
    def _():
        acc_ref[...] = jnp.zeros_like(acc_ref)

    xcb = jnp.concatenate([x1_ref[:, :_D], x2_ref[:, _D:]],
                          axis=1).astype(jnp.bfloat16)
    xcb_ref[...] = xcb
    h = (jnp.dot(xcb, w1_ref[...], preferred_element_type=jnp.float32)
         + b1_ref[...])
    acc_ref[0, :] += jnp.sum(h, axis=0)
    acc_ref[1, :] += jnp.sum(h * h, axis=0)

    @pl.when(i == _NB - 1)
    def _():
        stats_ref[...] = acc_ref[...]


def _tc_a(x1, x2, w1, b1):
    return pl.pallas_call(
        _tc_a_body,
        grid=(_NB,),
        in_specs=[
            pl.BlockSpec((_RB, _DW), lambda i: (i, 0)),
            pl.BlockSpec((_RB, _DW), lambda i: (i, 0)),
            pl.BlockSpec((_DW, _H), lambda i: (0, 0)),
            pl.BlockSpec((1, _H), lambda i: (0, 0)),
        ],
        out_specs=[
            pl.BlockSpec((_RB, _DW), lambda i: (i, 0)),
            pl.BlockSpec((2, _H), lambda i: (0, 0)),
        ],
        out_shape=[
            jax.ShapeDtypeStruct((_R, _DW), jnp.bfloat16),
            jax.ShapeDtypeStruct((2, _H), jnp.float32),
        ],
        scratch_shapes=[pltpu.VMEM((2, _H), jnp.float32)],
    )(x1, x2, w1, b1)


def _tc_b_body(xcb_ref, stats_ref, w1_ref, b1_ref, gamma_ref, beta_ref,
               wft_ref, bf_ref, mask_ref, pool_ref, out_ref,
               w1s_ref, bias_ref):
    i = pl.program_id(0)

    @pl.when(i == 0)
    def _():
        inv_n = jnp.float32(1.0 / _R)
        mu = stats_ref[0, :] * inv_n
        var = stats_ref[1, :] * inv_n - mu * mu
        scale = gamma_ref[0, :] / jnp.sqrt(var + jnp.float32(_EPS))
        w1s_ref[...] = (w1_ref[...].astype(jnp.float32)
                        * scale[None, :]).astype(jnp.bfloat16)
        bias_ref[0, :] = (b1_ref[0, :] - mu) * scale + beta_ref[0, :]

    h = (jnp.dot(xcb_ref[...], w1s_ref[...], preferred_element_type=jnp.float32)
         + bias_ref[0, :][None, :])
    hn = jnp.maximum(h.astype(jnp.bfloat16), jnp.bfloat16(0.0))
    pooled_sum = jnp.dot(pool_ref[...], hn,
                         preferred_element_type=jnp.float32)
    denom = jnp.sum(mask_ref[...], axis=1, keepdims=True)
    pooled = (pooled_sum / denom).astype(jnp.bfloat16)
    out_ref[...] = (jnp.dot(pooled, wft_ref[...],
                            preferred_element_type=jnp.float32)
                    + bf_ref[...])


def _tc_b(xcb, stats, w1, b1, gamma, beta, wft, bf, mask, pool):
    return pl.pallas_call(
        _tc_b_body,
        grid=(_NB,),
        in_specs=[
            pl.BlockSpec((_RB, _DW), lambda i: (i, 0)),
            pl.BlockSpec((2, _H), lambda i: (0, 0)),
            pl.BlockSpec((_DW, _H), lambda i: (0, 0)),
            pl.BlockSpec((1, _H), lambda i: (0, 0)),
            pl.BlockSpec((1, _H), lambda i: (0, 0)),
            pl.BlockSpec((1, _H), lambda i: (0, 0)),
            pl.BlockSpec((_H, _C), lambda i: (0, 0)),
            pl.BlockSpec((1, _C), lambda i: (0, 0)),
            pl.BlockSpec((_BB, _L), lambda i: (i, 0)),
            pl.BlockSpec((_BB, _RB), lambda i: (0, 0)),
        ],
        out_specs=pl.BlockSpec((_BB, _C), lambda i: (i, 0)),
        out_shape=jax.ShapeDtypeStruct((_B, _C), jnp.float32),
        scratch_shapes=[
            pltpu.VMEM((_DW, _H), jnp.bfloat16),
            pltpu.VMEM((1, _H), jnp.float32),
        ],
    )(xcb, stats, w1, b1, gamma, beta, wft, bf, mask, pool)


def kernel(token_ids, word_ids, attention_mask, emb1, emb2, W1, b1, gamma,
           beta, Wf, bf):
    idx1 = token_ids.astype(jnp.int32).reshape(_R)
    idx2 = word_ids.astype(jnp.int32).reshape(_R)
    cat = jnp.concatenate([emb1, emb2], axis=1)
    x1, x2 = _sc_gather(cat, idx1, idx2)

    w1 = W1.T.astype(jnp.bfloat16)
    wft = Wf.T.astype(jnp.bfloat16)
    b1r = b1.reshape(1, _H)
    pool = (jnp.arange(_RB, dtype=jnp.int32)[None, :] // _L
            == jnp.arange(_BB, dtype=jnp.int32)[:, None]).astype(jnp.bfloat16)
    xcb, stats = _tc_a(x1, x2, w1, b1r)
    return _tc_b(
        xcb, stats, w1, b1r, gamma.reshape(1, _H), beta.reshape(1, _H),
        wft, bf.reshape(1, _C), attention_mask, pool,
    )

# --- scband reference (transcript-rebuilt; emitter-appended) ---
"""Pipeline reference for scband-fasttext-25409026523174 (READ-ONLY COPY).

The authoritative reference and input builder live on the scoring server;
editing this copy changes nothing except your own understanding.
"""

import jax, jax.numpy as jnp
import numpy as np

B, L = 4096, 50
V1, V2 = 100000, 100000
D1, D2 = 64, 64
H, C = 256, 1000
EPS = 1e-5


def setup_inputs(seed: int = 0) -> dict:
    key = jax.random.key(seed)
    ks = jax.random.split(key, 8)
    token_ids = jax.random.randint(ks[0], (B, L), 0, V1, dtype=jnp.int64 if jax.config.jax_enable_x64 else jnp.int32)
    word_ids = jax.random.randint(ks[1], (B, L), 0, V2, dtype=jnp.int64 if jax.config.jax_enable_x64 else jnp.int32)
    attention_mask = jnp.ones((B, L), dtype=jnp.float32)
    emb1 = jax.random.normal(ks[2], (V1, D1), jnp.float32) * 0.02
    emb2 = jax.random.normal(ks[3], (V2, D2), jnp.float32) * 0.02
    W1 = jax.random.normal(ks[4], (H, D1 + D2), jnp.float32) * 0.05
    b1 = jnp.zeros((H,), jnp.float32)
    gamma = jnp.ones((H,), jnp.float32)
    beta = jnp.zeros((H,), jnp.float32)
    Wf = jax.random.normal(ks[5], (C, H), jnp.float32) * 0.05
    bf = jnp.zeros((C,), jnp.float32)
    return {"token_ids": token_ids, "word_ids": word_ids, "attention_mask": attention_mask,
            "emb1": emb1, "emb2": emb2, "W1": W1, "b1": b1, "gamma": gamma, "beta": beta,
            "Wf": Wf, "bf": bf}


def reference(token_ids, word_ids, attention_mask, emb1, emb2, W1, b1, gamma, beta, Wf, bf):
    # embedding lookups (SparseCore gathers)
    x1 = jnp.take(emb1, token_ids, axis=0)          # [B, L, D1]
    x2 = jnp.take(emb2, word_ids, axis=0)           # [B, L, D2]
    x = jnp.concatenate([x1, x2], axis=-1)          # [B, L, D1+D2]
    flat = x.reshape(-1, x.shape[-1])                # [B*L, D]
    # Linear
    h = flat @ W1.T + b1                             # [B*L, H]
    # BatchNorm1d (training mode: batch statistics, biased variance)
    mu = jnp.mean(h, axis=0)
    var = jnp.mean((h - mu) ** 2, axis=0)
    h = (h - mu) / jnp.sqrt(var + EPS) * gamma + beta
    # ReLU
    h = jnp.maximum(h, 0.0)
    h = h.reshape(x.shape[0], x.shape[1], -1)        # [B, L, H]
    # masked mean pooling (sum over seq / mask count)
    pooled = jnp.sum(h, axis=1) / jnp.sum(attention_mask, axis=1)[:, None]
    logits = pooled @ Wf.T + bf                      # [B, C]
    return logits

if __name__ == "__main__":
    import jax
    _d = setup_inputs()
    print(jax.jit(kernel)(*tuple(_d.values())))

</pallas_src>

<mosaic_0001>
#map = affine_map<(d0, d1) -> (0, 0)>
#map1 = affine_map<(d0, d1) -> (0)>
module attributes {stable_mosaic.version = 14 : i64} {
  func.func @k(%arg0: i32, %arg1: i32, %arg2: memref<100000x128xf32, #tpu.memory_space<hbm>>, %arg3: memref<204800xi32, #tpu.memory_space<hbm>>, %arg4: memref<204800xi32, #tpu.memory_space<hbm>>, %arg5: memref<204800x128xf32, #tpu.memory_space<hbm>>, %arg6: memref<204800x128xf32, #tpu.memory_space<hbm>>, %arg7: memref<400xi32, #tpu.memory_space<vmem>>, %arg8: memref<400xi32, #tpu.memory_space<vmem>>, %arg9: memref<400x128xf32, #tpu.memory_space<vmem>>, %arg10: memref<400x128xf32, #tpu.memory_space<vmem>>, %arg11: memref<!tpu.dma_semaphore, #tpu.memory_space<semaphore_mem>>, %arg12: memref<!tpu.dma_semaphore, #tpu.memory_space<semaphore_mem>>) attributes {dimension_semantics = [#tpu.dimension_semantics<core_parallel>, #tpu.dimension_semantics<subcore_parallel>], iteration_bounds = array<i64: 2, 16>, scalar_prefetch = 0 : i64, scratch_operands = 6 : i64, tpu.core_type = #tpu.core_type<sc_vector_subcore>, window_params = [{transform_indices = #map}, {transform_indices = #map1}, {transform_indices = #map1}, {transform_indices = #map}, {transform_indices = #map}]} {
    %mul3A = arith.constant 2 : i32
    %mul3A_0 = arith.muli %arg1, %mul3A : i32
    %add3A = arith.addi %mul3A_0, %arg0 : i32
    %scan3A = arith.constant 0 : i32
    %scan3A_1 = arith.constant 16 : i32
    %scan3A_2 = arith.addi %scan3A, %scan3A_1 : i32
    %scan3A_3 = arith.constant 1 : i32
    scf.for %scan3A_5 = %scan3A to %scan3A_2 step %scan3A_3  : i32 {
      %mul3A_6 = arith.constant 1 : i32
      %mul3A_7 = arith.muli %scan3A_5, %mul3A_6 : i32
      %add3A_8 = arith.constant 0 : i32
      %add3A_9 = arith.addi %add3A_8, %mul3A_7 : i32
      %mul3A_10 = arith.constant 6400 : i32
      %mul3A_11 = arith.muli %add3A, %mul3A_10 : i32
      %mul3A_12 = arith.constant 400 : i32
      %mul3A_13 = arith.muli %add3A_9, %mul3A_12 : i32
      %add3A_14 = arith.addi %mul3A_11, %mul3A_13 : i32
      "tpu.region"() ({
        %run_scoped3A = tpu.sem_alloc : memref<!tpu.dma_semaphore, #tpu.memory_space<semaphore_mem>>
        %dma_start3A_25 = tpu.memref_slice %arg3[%add3A_14] : memref<204800xi32, #tpu.memory_space<hbm>> -> memref<400xi32, #tpu.memory_space<hbm>>
        %dma_start3A_26 = tpu.memref_slice %arg3[%add3A_14] : memref<204800xi32, #tpu.memory_space<hbm>> -> memref<400xi32, #tpu.memory_space<hbm>>
        tpu.enqueue_dma source(%dma_start3A_26 : memref<400xi32, #tpu.memory_space<hbm>>) target(%arg7 : memref<400xi32, #tpu.memory_space<vmem>>) target_semaphore(%run_scoped3A : memref<!tpu.dma_semaphore, #tpu.memory_space<semaphore_mem>>)
        %dma_wait3A_27 = tpu.memref_slice %arg3[%add3A_14] : memref<204800xi32, #tpu.memory_space<hbm>> -> memref<400xi32, #tpu.memory_space<hbm>>
        %dma_wait3A_28 = tpu.memref_slice %arg3[%add3A_14] : memref<204800xi32, #tpu.memory_space<hbm>> -> memref<400xi32, #tpu.memory_space<hbm>>
        tpu.wait_dma2 semaphore(%run_scoped3A : memref<!tpu.dma_semaphore, #tpu.memory_space<semaphore_mem>>) src(%dma_wait3A_28 : memref<400xi32, #tpu.memory_space<hbm>>) dst(%arg7 : memref<400xi32, #tpu.memory_space<vmem>>)
        tpu.yield
      }) : () -> ()
      "tpu.region"() ({
        %run_scoped3A = tpu.sem_alloc : memref<!tpu.dma_semaphore, #tpu.memory_space<semaphore_mem>>
        %dma_start3A_25 = tpu.memref_slice %arg4[%add3A_14] : memref<204800xi32, #tpu.memory_space<hbm>> -> memref<400xi32, #tpu.memory_space<hbm>>
        %dma_start3A_26 = tpu.memref_slice %arg4[%add3A_14] : memref<204800xi32, #tpu.memory_space<hbm>> -> memref<400xi32, #tpu.memory_space<hbm>>
        tpu.enqueue_dma source(%dma_start3A_26 : memref<400xi32, #tpu.memory_space<hbm>>) target(%arg8 : memref<400xi32, #tpu.memory_space<vmem>>) target_semaphore(%run_scoped3A : memref<!tpu.dma_semaphore, #tpu.memory_space<semaphore_mem>>)
        %dma_wait3A_27 = tpu.memref_slice %arg4[%add3A_14] : memref<204800xi32, #tpu.memory_space<hbm>> -> memref<400xi32, #tpu.memory_space<hbm>>
        %dma_wait3A_28 = tpu.memref_slice %arg4[%add3A_14] : memref<204800xi32, #tpu.memory_space<hbm>> -> memref<400xi32, #tpu.memory_space<hbm>>
        tpu.wait_dma2 semaphore(%run_scoped3A : memref<!tpu.dma_semaphore, #tpu.memory_space<semaphore_mem>>) src(%dma_wait3A_28 : memref<400xi32, #tpu.memory_space<hbm>>) dst(%arg8 : memref<400xi32, #tpu.memory_space<vmem>>)
        tpu.yield
      }) : () -> ()
      %dma_start3A = arith.constant 0 : i32
      %dma_start3A_15 = arith.constant 0 : i32
      %dma_start3A_16 = tpu.memref_slice %arg2[%dma_start3A, %dma_start3A_15] : memref<100000x128xf32, #tpu.memory_space<hbm>> -> memref<100000x128xf32, #tpu.memory_space<hbm>>
      tpu.enqueue_indirect_dma source(%dma_start3A_16 : memref<100000x128xf32, #tpu.memory_space<hbm>>) target(%arg9 : memref<400x128xf32, #tpu.memory_space<vmem>>) offsets(%arg7 : memref<400xi32, #tpu.memory_space<vmem>>) semaphore(%arg11 : memref<!tpu.dma_semaphore, #tpu.memory_space<semaphore_mem>>)
      %dma_start3A_17 = arith.constant 0 : i32
      %dma_start3A_18 = arith.constant 0 : i32
      %dma_start3A_19 = tpu.memref_slice %arg2[%dma_start3A_17, %dma_start3A_18] : memref<100000x128xf32, #tpu.memory_space<hbm>> -> memref<100000x128xf32, #tpu.memory_space<hbm>>
      tpu.enqueue_indirect_dma source(%dma_start3A_19 : memref<100000x128xf32, #tpu.memory_space<hbm>>) target(%arg10 : memref<400x128xf32, #tpu.memory_space<vmem>>) offsets(%arg8 : memref<400xi32, #tpu.memory_space<vmem>>) semaphore(%arg12 : memref<!tpu.dma_semaphore, #tpu.memory_space<semaphore_mem>>)
      %dma_wait3A = arith.constant 0 : i32
      %dma_wait3A_20 = arith.constant 0 : i32
      %dma_wait3A_21 = tpu.memref_slice %arg2[%dma_wait3A, %dma_wait3A_20] : memref<100000x128xf32, #tpu.memory_space<hbm>> -> memref<100000x128xf32, #tpu.memory_space<hbm>>
      tpu.wait_indirect_dma semaphore(%arg11 : memref<!tpu.dma_semaphore, #tpu.memory_space<semaphore_mem>>) src(%dma_wait3A_21 : memref<100000x128xf32, #tpu.memory_space<hbm>>) dst(%arg9 : memref<400x128xf32, #tpu.memory_space<vmem>>)
      %dma_wait3A_22 = arith.constant 0 : i32
      %dma_wait3A_23 = arith.constant 0 : i32
      %dma_wait3A_24 = tpu.memref_slice %arg2[%dma_wait3A_22, %dma_wait3A_23] : memref<100000x128xf32, #tpu.memory_space<hbm>> -> memref<100000x128xf32, #tpu.memory_space<hbm>>
      tpu.wait_indirect_dma semaphore(%arg12 : memref<!tpu.dma_semaphore, #tpu.memory_space<semaphore_mem>>) src(%dma_wait3A_24 : memref<100000x128xf32, #tpu.memory_space<hbm>>) dst(%arg10 : memref<400x128xf32, #tpu.memory_space<vmem>>)
      "tpu.region"() ({
        %run_scoped3A = tpu.sem_alloc : memref<!tpu.dma_semaphore, #tpu.memory_space<semaphore_mem>>
        %dma_start3A_25 = arith.constant 0 : i32
        %dma_start3A_26 = tpu.memref_slice %arg5[%add3A_14, %dma_start3A_25] : memref<204800x128xf32, #tpu.memory_space<hbm>> -> memref<400x128xf32, #tpu.memory_space<hbm>>
        %dma_start3A_27 = arith.constant 0 : i32
        %dma_start3A_28 = tpu.memref_slice %arg5[%add3A_14, %dma_start3A_27] : memref<204800x128xf32, #tpu.memory_space<hbm>> -> memref<400x128xf32, #tpu.memory_space<hbm>>
        tpu.enqueue_dma source(%arg9 : memref<400x128xf32, #tpu.memory_space<vmem>>) target(%dma_start3A_28 : memref<400x128xf32, #tpu.memory_space<hbm>>) target_semaphore(%run_scoped3A : memref<!tpu.dma_semaphore, #tpu.memory_space<semaphore_mem>>)
        %dma_wait3A_29 = arith.constant 0 : i32
        %dma_wait3A_30 = tpu.memref_slice %arg5[%add3A_14, %dma_wait3A_29] : memref<204800x128xf32, #tpu.memory_space<hbm>> -> memref<400x128xf32, #tpu.memory_space<hbm>>
        %dma_wait3A_31 = arith.constant 0 : i32
        %dma_wait3A_32 = tpu.memref_slice %arg5[%add3A_14, %dma_wait3A_31] : memref<204800x128xf32, #tpu.memory_space<hbm>> -> memref<400x128xf32, #tpu.memory_space<hbm>>
        tpu.wait_dma2 semaphore(%run_scoped3A : memref<!tpu.dma_semaphore, #tpu.memory_space<semaphore_mem>>) src(%arg9 : memref<400x128xf32, #tpu.memory_space<vmem>>) dst(%dma_wait3A_32 : memref<400x128xf32, #tpu.memory_space<hbm>>)
        tpu.yield
      }) : () -> ()
      "tpu.region"() ({
        %run_scoped3A = tpu.sem_alloc : memref<!tpu.dma_semaphore, #tpu.memory_space<semaphore_mem>>
        %dma_start3A_25 = arith.constant 0 : i32
        %dma_start3A_26 = tpu.memref_slice %arg6[%add3A_14, %dma_start3A_25] : memref<204800x128xf32, #tpu.memory_space<hbm>> -> memref<400x128xf32, #tpu.memory_space<hbm>>
        %dma_start3A_27 = arith.constant 0 : i32
        %dma_start3A_28 = tpu.memref_slice %arg6[%add3A_14, %dma_start3A_27] : memref<204800x128xf32, #tpu.memory_space<hbm>> -> memref<400x128xf32, #tpu.memory_space<hbm>>
        tpu.enqueue_dma source(%arg10 : memref<400x128xf32, #tpu.memory_space<vmem>>) target(%dma_start3A_28 : memref<400x128xf32, #tpu.memory_space<hbm>>) target_semaphore(%run_scoped3A : memref<!tpu.dma_semaphore, #tpu.memory_space<semaphore_mem>>)
        %dma_wait3A_29 = arith.constant 0 : i32
        %dma_wait3A_30 = tpu.memref_slice %arg6[%add3A_14, %dma_wait3A_29] : memref<204800x128xf32, #tpu.memory_space<hbm>> -> memref<400x128xf32, #tpu.memory_space<hbm>>
        %dma_wait3A_31 = arith.constant 0 : i32
        %dma_wait3A_32 = tpu.memref_slice %arg6[%add3A_14, %dma_wait3A_31] : memref<204800x128xf32, #tpu.memory_space<hbm>> -> memref<400x128xf32, #tpu.memory_space<hbm>>
        tpu.wait_dma2 semaphore(%run_scoped3A : memref<!tpu.dma_semaphore, #tpu.memory_space<semaphore_mem>>) src(%arg10 : memref<400x128xf32, #tpu.memory_space<vmem>>) dst(%dma_wait3A_32 : memref<400x128xf32, #tpu.memory_space<hbm>>)
        tpu.yield
      }) : () -> ()
    }
    %scan3A_4 = arith.constant 16 : i32
    return
  }
}

module attributes {stable_mosaic.version = 14 : i64} {
  func.func @_tc_a_body(%arg0: i32, %arg1: memref<6400x128xf32, #tpu.memory_space<vmem>>, %arg2: memref<6400x128xf32, #tpu.memory_space<vmem>>, %arg3: memref<128x256xbf16, #tpu.memory_space<vmem>>, %arg4: memref<1x256xf32, #tpu.memory_space<vmem>>, %arg5: memref<6400x128xbf16, #tpu.memory_space<vmem>>, %arg6: memref<2x256xf32, #tpu.memory_space<vmem>>, %arg7: memref<2x256xf32, #tpu.memory_space<vmem>>) attributes {dimension_semantics = [#tpu.dimension_semantics<arbitrary>], iteration_bounds = array<i64: 32>, scalar_prefetch = 0 : i64, scratch_operands = 1 : i64, tpu.core_type = #tpu.core_type<tc>, window_params = [{transform_indices = @transform_0, window_bounds = array<i64: 6400, 128>}, {transform_indices = @transform_1, window_bounds = array<i64: 6400, 128>}, {pipeline_mode = #tpu.pipeline_mode<synchronous>, transform_indices = @transform_2, window_bounds = array<i64: 128, 256>}, {pipeline_mode = #tpu.pipeline_mode<synchronous>, transform_indices = @transform_3, window_bounds = array<i64: 1, 256>}, {transform_indices = @transform_4, window_bounds = array<i64: 6400, 128>}, {pipeline_mode = #tpu.pipeline_mode<synchronous>, transform_indices = @transform_5, window_bounds = array<i64: 2, 256>}]} {
    %eq3A = arith.constant 0 : i32
    %eq3A_0 = arith.cmpi eq, %arg0, %eq3A : i32
    %convert_element_type3A = arith.extui %eq3A_0 : i1 to i32
    %cond3A = arith.constant 0 : i32
    %cond3A_1 = arith.cmpi ne, %convert_element_type3A, %cond3A : i32
    scf.if %cond3A_1 {
      %broadcast_in_dim3A = arith.constant 0.000000e+00 : f32
      %broadcast_in_dim3A_46 = vector.broadcast %broadcast_in_dim3A : f32 to vector<2x256xf32>
      %swap3A_47 = arith.constant 0 : index
      %swap3A_48 = arith.constant 0 : index
      %swap3A_49 = vector.load %arg7[%swap3A_47, %swap3A_48] : memref<2x256xf32, #tpu.memory_space<vmem>>, vector<2x256xf32>
      tpu.vector_store %arg7[%swap3A_47, %swap3A_48], %broadcast_in_dim3A_46 {strides = array<i32>} : memref<2x256xf32, #tpu.memory_space<vmem>>, vector<2x256xf32>,
    } else {
    }
    %get3A = arith.constant 0 : index
    %get3A_2 = arith.constant 0 : index
    %get3A_3 = vector.load %arg1[%get3A, %get3A_2] : memref<6400x128xf32, #tpu.memory_space<vmem>>, vector<6400x64xf32>
    %get3A_4 = arith.constant 0 : index
    %get3A_5 = arith.constant 64 : index
    %get3A_6 = vector.load %arg2[%get3A_4, %get3A_5] : memref<6400x128xf32, #tpu.memory_space<vmem>>, vector<6400x64xf32>
    %concatenate3A = tpu.concatenate %get3A_3, %get3A_6 in 1 : vector<6400x64xf32>, vector<6400x64xf32> -> vector<6400x128xf32>
    %convert_element_type3A_7 = arith.truncf %concatenate3A : vector<6400x128xf32> to vector<6400x128xbf16>
    %swap3A = arith.constant 0 : index
    %swap3A_8 = arith.constant 0 : index
    %swap3A_9 = vector.load %arg5[%swap3A, %swap3A_8] : memref<6400x128xbf16, #tpu.memory_space<vmem>>, vector<6400x128xbf16>
    tpu.vector_store %arg5[%swap3A, %swap3A_8], %convert_element_type3A_7 {strides = array<i32>} : memref<6400x128xbf16, #tpu.memory_space<vmem>>, vector<6400x128xbf16>,
    %get3A_10 = arith.constant 0 : index
    %get3A_11 = arith.constant 0 : index
    %get3A_12 = vector.load %arg3[%get3A_10, %get3A_11] : memref<128x256xbf16, #tpu.memory_space<vmem>>, vector<128x256xbf16>
    %dot_general3A = arith.constant dense<0.000000e+00> : vector<6400x256xf32>
    %dot_general3A_13 = tpu.matmul %convert_element_type3A_7, %get3A_12, %dot_general3A {dimension_numbers = #tpu.dot_dimension_numbers<[1], [0], [0], [1], [0, 0, 1, 1], [], []>, transpose_lhs_hint = false} : vector<6400x128xbf16>, vector<128x256xbf16>, vector<6400x256xf32> -> vector<6400x256xf32>
    %get3A_14 = arith.constant 0 : index
    %get3A_15 = arith.constant 0 : index
    %get3A_16 = vector.load %arg4[%get3A_14, %get3A_15] : memref<1x256xf32, #tpu.memory_space<vmem>>, vector<1x256xf32>
    %add3A = vector.broadcast %get3A_16 : vector<1x256xf32> to vector<6400x256xf32>
    %add3A_17 = arith.addf %dot_general3A_13, %add3A : vector<6400x256xf32>
    %get3A_18 = arith.constant 0 : index
    %get3A_19 = arith.constant 0 : index
    %get3A_20 = vector.load %arg7[%get3A_18, %get3A_19] : memref<2x256xf32, #tpu.memory_space<vmem>>, vector<1x256xf32>
    %get3A_21 = vector.shape_cast %get3A_20 : vector<1x256xf32> to vector<256xf32>
    %reduce_sum3A = arith.constant dense<0.000000e+00> : vector<256xf32>
    %reduce_sum3A_22 = vector.multi_reduction <add>, %add3A_17, %reduce_sum3A [0] : vector<6400x256xf32> to vector<256xf32>
    %add3A_23 = arith.addf %get3A_21, %reduce_sum3A_22 : vector<256xf32>
    %swap3A_24 = arith.constant 0 : index
    %swap3A_25 = arith.constant 0 : index
    %swap3A_26 = vector.load %arg7[%swap3A_24, %swap3A_25] : memref<2x256xf32, #tpu.memory_space<vmem>>, vector<1x256xf32>
    %swap3A_27 = vector.shape_cast %swap3A_26 : vector<1x256xf32> to vector<256xf32>
    %swap3A_28 = vector.shape_cast %add3A_23 : vector<256xf32> to vector<1x256xf32>
    tpu.vector_store %arg7[%swap3A_24, %swap3A_25], %swap3A_28 {strides = array<i32>} : memref<2x256xf32, #tpu.memory_space<vmem>>, vector<1x256xf32>,
    %get3A_29 = arith.constant 1 : index
    %get3A_30 = arith.constant 0 : index
    %get3A_31 = vector.load %arg7[%get3A_29, %get3A_30] : memref<2x256xf32, #tpu.memory_space<vmem>>, vector<1x256xf32>
    %get3A_32 = vector.shape_cast %get3A_31 : vector<1x256xf32> to vector<256xf32>
    %mul3A = arith.mulf %add3A_17, %add3A_17 : vector<6400x256xf32>
    %reduce_sum3A_33 = arith.constant dense<0.000000e+00> : vector<256xf32>
    %reduce_sum3A_34 = vector.multi_reduction <add>, %mul3A, %reduce_sum3A_33 [0] : vector<6400x256xf32> to vector<256xf32>
    %add3A_35 = arith.addf %get3A_32, %reduce_sum3A_34 : vector<256xf32>
    %swap3A_36 = arith.constant 1 : index
    %swap3A_37 = arith.constant 0 : index
    %swap3A_38 = vector.load %arg7[%swap3A_36, %swap3A_37] : memref<2x256xf32, #tpu.memory_space<vmem>>, vector<1x256xf32>
    %swap3A_39 = vector.shape_cast %swap3A_38 : vector<1x256xf32> to vector<256xf32>
    %swap3A_40 = vector.shape_cast %add3A_35 : vector<256xf32> to vector<1x256xf32>
    tpu.vector_store %arg7[%swap3A_36, %swap3A_37], %swap3A_40 {strides = array<i32>} : memref<2x256xf32, #tpu.memory_space<vmem>>, vector<1x256xf32>,
    %eq3A_41 = arith.constant 31 : i32
    %eq3A_42 = arith.cmpi eq, %arg0, %eq3A_41 : i32
    %convert_element_type3A_43 = arith.extui %eq3A_42 : i1 to i32
    %cond3A_44 = arith.constant 0 : i32
    %cond3A_45 = arith.cmpi ne, %convert_element_type3A_43, %cond3A_44 : i32
    scf.if %cond3A_45 {
      %get3A_46 = arith.constant 0 : index
      %get3A_47 = arith.constant 0 : index
      %get3A_48 = vector.load %arg7[%get3A_46, %get3A_47] : memref<2x256xf32, #tpu.memory_space<vmem>>, vector<2x256xf32>
      %swap3A_49 = arith.constant 0 : index
      %swap3A_50 = arith.constant 0 : index
      %swap3A_51 = vector.load %arg6[%swap3A_49, %swap3A_50] : memref<2x256xf32, #tpu.memory_space<vmem>>, vector<2x256xf32>
      tpu.vector_store %arg6[%swap3A_49, %swap3A_50], %get3A_48 {strides = array<i32>} : memref<2x256xf32, #tpu.memory_space<vmem>>, vector<2x256xf32>,
    } else {
    }
    return
  }
  func.func @transform_0(%arg0: i32) -> (i32, i32) {
    %c0_i32 = arith.constant 0 : i32
    %c0_i32_0 = arith.constant 0 : i32
    return %arg0, %c0_i32 : i32, i32
  }
  func.func @transform_1(%arg0: i32) -> (i32, i32) {
    %c0_i32 = arith.constant 0 : i32
    %c0_i32_0 = arith.constant 0 : i32
    return %arg0, %c0_i32 : i32, i32
  }
  func.func @transform_2(%arg0: i32) -> (i32, i32) {
    %c0_i32 = arith.constant 0 : i32
    %c0_i32_0 = arith.constant 0 : i32
    %c0_i32_1 = arith.constant 0 : i32
    return %c0_i32, %c0_i32_0 : i32, i32
  }
  func.func @transform_3(%arg0: i32) -> (i32, i32) {
    %c0_i32 = arith.constant 0 : i32
    %c0_i32_0 = arith.constant 0 : i32
    %c0_i32_1 = arith.constant 0 : i32
    return %c0_i32, %c0_i32_0 : i32, i32
  }
  func.func @transform_4(%arg0: i32) -> (i32, i32) {
    %c0_i32 = arith.constant 0 : i32
    %c0_i32_0 = arith.constant 0 : i32
    return %arg0, %c0_i32 : i32, i32
  }
  func.func @transform_5(%arg0: i32) -> (i32, i32) {
    %c0_i32 = arith.constant 0 : i32
    %c0_i32_0 = arith.constant 0 : i32
    %c0_i32_1 = arith.constant 0 : i32
    return %c0_i32, %c0_i32_0 : i32, i32
  }
}

module attributes {stable_mosaic.version = 14 : i64} {
  func.func @_tc_b_body(%arg0: i32, %arg1: memref<6400x128xbf16, #tpu.memory_space<vmem>>, %arg2: memref<2x256xf32, #tpu.memory_space<vmem>>, %arg3: memref<128x256xbf16, #tpu.memory_space<vmem>>, %arg4: memref<1x256xf32, #tpu.memory_space<vmem>>, %arg5: memref<1x256xf32, #tpu.memory_space<vmem>>, %arg6: memref<1x256xf32, #tpu.memory_space<vmem>>, %arg7: memref<256x1000xbf16, #tpu.memory_space<vmem>>, %arg8: memref<1x1000xf32, #tpu.memory_space<vmem>>, %arg9: memref<128x50xf32, #tpu.memory_space<vmem>>, %arg10: memref<128x6400xbf16, #tpu.memory_space<vmem>>, %arg11: memref<128x1000xf32, #tpu.memory_space<vmem>>, %arg12: memref<128x256xbf16, #tpu.memory_space<vmem>>, %arg13: memref<1x256xf32, #tpu.memory_space<vmem>>) attributes {dimension_semantics = [#tpu.dimension_semantics<arbitrary>], iteration_bounds = array<i64: 32>, scalar_prefetch = 0 : i64, scratch_operands = 2 : i64, tpu.core_type = #tpu.core_type<tc>, window_params = [{transform_indices = @transform_0, window_bounds = array<i64: 6400, 128>}, {pipeline_mode = #tpu.pipeline_mode<synchronous>, transform_indices = @transform_1, window_bounds = array<i64: 2, 256>}, {pipeline_mode = #tpu.pipeline_mode<synchronous>, transform_indices = @transform_2, window_bounds = array<i64: 128, 256>}, {pipeline_mode = #tpu.pipeline_mode<synchronous>, transform_indices = @transform_3, window_bounds = array<i64: 1, 256>}, {pipeline_mode = #tpu.pipeline_mode<synchronous>, transform_indices = @transform_4, window_bounds = array<i64: 1, 256>}, {pipeline_mode = #tpu.pipeline_mode<synchronous>, transform_indices = @transform_5, window_bounds = array<i64: 1, 256>}, {pipeline_mode = #tpu.pipeline_mode<synchronous>, transform_indices = @transform_6, window_bounds = array<i64: 256, 1000>}, {pipeline_mode = #tpu.pipeline_mode<synchronous>, transform_indices = @transform_7, window_bounds = array<i64: 1, 1000>}, {transform_indices = @transform_8, window_bounds = array<i64: 128, 50>}, {pipeline_mode = #tpu.pipeline_mode<synchronous>, transform_indices = @transform_9, window_bounds = array<i64: 128, 6400>}, {transform_indices = @transform_10, window_bounds = array<i64: 128, 1000>}]} {
    %eq3A = arith.constant 0 : i32
    %eq3A_0 = arith.cmpi eq, %arg0, %eq3A : i32
    %convert_element_type3A = arith.extui %eq3A_0 : i1 to i32
    %cond3A = arith.constant 0 : i32
    %cond3A_1 = arith.cmpi ne, %convert_element_type3A, %cond3A : i32
    scf.if %cond3A_1 {
      %get3A_40 = arith.constant 0 : index
      %get3A_41 = arith.constant 0 : index
      %get3A_42 = vector.load %arg2[%get3A_40, %get3A_41] : memref<2x256xf32, #tpu.memory_space<vmem>>, vector<1x256xf32>
      %get3A_43 = vector.shape_cast %get3A_42 : vector<1x256xf32> to vector<256xf32>
      %mul3A = arith.constant 4.88281239E-6 : f32
      %mul3A_44 = vector.broadcast %mul3A : f32 to vector<256xf32>
      %mul3A_45 = arith.mulf %get3A_43, %mul3A_44 : vector<256xf32>
      %get3A_46 = arith.constant 1 : index
      %get3A_47 = arith.constant 0 : index
      %get3A_48 = vector.load %arg2[%get3A_46, %get3A_47] : memref<2x256xf32, #tpu.memory_space<vmem>>, vector<1x256xf32>
      %get3A_49 = vector.shape_cast %get3A_48 : vector<1x256xf32> to vector<256xf32>
      %mul3A_50 = arith.constant 4.88281239E-6 : f32
      %mul3A_51 = vector.broadcast %mul3A_50 : f32 to vector<256xf32>
      %mul3A_52 = arith.mulf %get3A_49, %mul3A_51 : vector<256xf32>
      %mul3A_53 = arith.mulf %mul3A_45, %mul3A_45 : vector<256xf32>
      %sub3A = arith.subf %mul3A_52, %mul3A_53 : vector<256xf32>
      %get3A_54 = arith.constant 0 : index
      %get3A_55 = arith.constant 0 : index
      %get3A_56 = vector.load %arg5[%get3A_54, %get3A_55] : memref<1x256xf32, #tpu.memory_space<vmem>>, vector<1x256xf32>
      %get3A_57 = vector.shape_cast %get3A_56 : vector<1x256xf32> to vector<256xf32>
      %add3A_58 = arith.constant 9.99999974E-6 : f32
      %add3A_59 = vector.broadcast %add3A_58 : f32 to vector<256xf32>
      %add3A_60 = arith.addf %sub3A, %add3A_59 : vector<256xf32>
      %sqrt3A = math.sqrt %add3A_60 : vector<256xf32>
      %div3A_61 = arith.divf %get3A_57, %sqrt3A : vector<256xf32>
      %get3A_62 = arith.constant 0 : index
      %get3A_63 = arith.constant 0 : index
      %get3A_64 = vector.load %arg3[%get3A_62, %get3A_63] : memref<128x256xbf16, #tpu.memory_space<vmem>>, vector<128x256xbf16>
      %convert_element_type3A_65 = arith.extf %get3A_64 : vector<128x256xbf16> to vector<128x256xf32>
      %broadcast_in_dim3A_66 = vector.shape_cast %div3A_61 : vector<256xf32> to vector<1x256xf32>
      %mul3A_67 = vector.broadcast %broadcast_in_dim3A_66 : vector<1x256xf32> to vector<128x256xf32>
      %mul3A_68 = arith.mulf %convert_element_type3A_65, %mul3A_67 : vector<128x256xf32>
      %convert_element_type3A_69 = arith.truncf %mul3A_68 : vector<128x256xf32> to vector<128x256xbf16>
      %swap3A_70 = arith.constant 0 : index
      %swap3A_71 = arith.constant 0 : index
      %swap3A_72 = vector.load %arg12[%swap3A_70, %swap3A_71] : memref<128x256xbf16, #tpu.memory_space<vmem>>, vector<128x256xbf16>
      tpu.vector_store %arg12[%swap3A_70, %swap3A_71], %convert_element_type3A_69 {strides = array<i32>} : memref<128x256xbf16, #tpu.memory_space<vmem>>, vector<128x256xbf16>,
      %get3A_73 = arith.constant 0 : index
      %get3A_74 = arith.constant 0 : index
      %get3A_75 = vector.load %arg4[%get3A_73, %get3A_74] : memref<1x256xf32, #tpu.memory_space<vmem>>, vector<1x256xf32>
      %get3A_76 = vector.shape_cast %get3A_75 : vector<1x256xf32> to vector<256xf32>
      %sub3A_77 = arith.subf %get3A_76, %mul3A_45 : vector<256xf32>
      %mul3A_78 = arith.mulf %sub3A_77, %div3A_61 : vector<256xf32>
      %get3A_79 = arith.constant 0 : index
      %get3A_80 = arith.constant 0 : index
      %get3A_81 = vector.load %arg6[%get3A_79, %get3A_80] : memref<1x256xf32, #tpu.memory_space<vmem>>, vector<1x256xf32>
      %get3A_82 = vector.shape_cast %get3A_81 : vector<1x256xf32> to vector<256xf32>
      %add3A_83 = arith.addf %mul3A_78, %get3A_82 : vector<256xf32>
      %swap3A_84 = arith.constant 0 : index
      %swap3A_85 = arith.constant 0 : index
      %swap3A_86 = vector.load %arg13[%swap3A_84, %swap3A_85] : memref<1x256xf32, #tpu.memory_space<vmem>>, vector<1x256xf32>
      %swap3A_87 = vector.shape_cast %swap3A_86 : vector<1x256xf32> to vector<256xf32>
      %swap3A_88 = vector.shape_cast %add3A_83 : vector<256xf32> to vector<1x256xf32>
      tpu.vector_store %arg13[%swap3A_84, %swap3A_85], %swap3A_88 {strides = array<i32>} : memref<1x256xf32, #tpu.memory_space<vmem>>, vector<1x256xf32>,
    } else {
    }
    %get3A = arith.constant 0 : index
    %get3A_2 = arith.constant 0 : index
    %get3A_3 = vector.load %arg1[%get3A, %get3A_2] : memref<6400x128xbf16, #tpu.memory_space<vmem>>, vector<6400x128xbf16>
    %get3A_4 = arith.constant 0 : index
    %get3A_5 = arith.constant 0 : index
    %get3A_6 = vector.load %arg12[%get3A_4, %get3A_5] : memref<128x256xbf16, #tpu.memory_space<vmem>>, vector<128x256xbf16>
    %dot_general3A = arith.constant dense<0.000000e+00> : vector<6400x256xf32>
    %dot_general3A_7 = tpu.matmul %get3A_3, %get3A_6, %dot_general3A {dimension_numbers = #tpu.dot_dimension_numbers<[1], [0], [0], [1], [0, 0, 1, 1], [], []>, transpose_lhs_hint = false} : vector<6400x128xbf16>, vector<128x256xbf16>, vector<6400x256xf32> -> vector<6400x256xf32>
    %get3A_8 = arith.constant 0 : index
    %get3A_9 = arith.constant 0 : index
    %get3A_10 = vector.load %arg13[%get3A_8, %get3A_9] : memref<1x256xf32, #tpu.memory_space<vmem>>, vector<1x256xf32>
    %get3A_11 = vector.shape_cast %get3A_10 : vector<1x256xf32> to vector<256xf32>
    %broadcast_in_dim3A = vector.shape_cast %get3A_11 : vector<256xf32> to vector<1x256xf32>
    %add3A = vector.broadcast %broadcast_in_dim3A : vector<1x256xf32> to vector<6400x256xf32>
    %add3A_12 = arith.addf %dot_general3A_7, %add3A : vector<6400x256xf32>
    %convert_element_type3A_13 = arith.truncf %add3A_12 : vector<6400x256xf32> to vector<6400x256xbf16>
    %max3A = arith.constant 0.000000e+00 : bf16
    %max3A_14 = vector.broadcast %max3A : bf16 to vector<6400x256xbf16>
    %max3A_15 = arith.maximumf %convert_element_type3A_13, %max3A_14 : vector<6400x256xbf16>
    %get3A_16 = arith.constant 0 : index
    %get3A_17 = arith.constant 0 : index
    %get3A_18 = vector.load %arg10[%get3A_16, %get3A_17] : memref<128x6400xbf16, #tpu.memory_space<vmem>>, vector<128x6400xbf16>
    %dot_general3A_19 = arith.constant dense<0.000000e+00> : vector<128x256xf32>
    %dot_general3A_20 = tpu.matmul %get3A_18, %max3A_15, %dot_general3A_19 {dimension_numbers = #tpu.dot_dimension_numbers<[1], [0], [0], [1], [0, 0, 1, 1], [], []>, transpose_lhs_hint = false} : vector<128x6400xbf16>, vector<6400x256xbf16>, vector<128x256xf32> -> vector<128x256xf32>
    %get3A_21 = arith.constant 0 : index
    %get3A_22 = arith.constant 0 : index
    %get3A_23 = vector.load %arg9[%get3A_21, %get3A_22] : memref<128x50xf32, #tpu.memory_space<vmem>>, vector<128x50xf32>
    %reduce_sum3A = arith.constant dense<0.000000e+00> : vector<128xf32>
    %reduce_sum3A_24 = vector.multi_reduction <add>, %get3A_23, %reduce_sum3A [1] : vector<128x50xf32> to vector<128xf32>
    %broadcast_in_dim3A_25 = vector.shape_cast %reduce_sum3A_24 : vector<128xf32> to vector<128x1xf32>
    %div3A = vector.broadcast %broadcast_in_dim3A_25 : vector<128x1xf32> to vector<128x256xf32>
    %div3A_26 = arith.divf %dot_general3A_20, %div3A : vector<128x256xf32>
    %convert_element_type3A_27 = arith.truncf %div3A_26 : vector<128x256xf32> to vector<128x256xbf16>
    %get3A_28 = arith.constant 0 : index
    %get3A_29 = arith.constant 0 : index
    %get3A_30 = vector.load %arg7[%get3A_28, %get3A_29] : memref<256x1000xbf16, #tpu.memory_space<vmem>>, vector<256x1000xbf16>
    %dot_general3A_31 = arith.constant dense<0.000000e+00> : vector<128x1000xf32>
    %dot_general3A_32 = tpu.matmul %convert_element_type3A_27, %get3A_30, %dot_general3A_31 {dimension_numbers = #tpu.dot_dimension_numbers<[1], [0], [0], [1], [0, 0, 1, 1], [], []>, transpose_lhs_hint = false} : vector<128x256xbf16>, vector<256x1000xbf16>, vector<128x1000xf32> -> vector<128x1000xf32>
    %get3A_33 = arith.constant 0 : index
    %get3A_34 = arith.constant 0 : index
    %get3A_35 = vector.load %arg8[%get3A_33, %get3A_34] : memref<1x1000xf32, #tpu.memory_space<vmem>>, vector<1x1000xf32>
    %add3A_36 = vector.broadcast %get3A_35 : vector<1x1000xf32> to vector<128x1000xf32>
    %add3A_37 = arith.addf %dot_general3A_32, %add3A_36 : vector<128x1000xf32>
    %swap3A = arith.constant 0 : index
    %swap3A_38 = arith.constant 0 : index
    %swap3A_39 = vector.load %arg11[%swap3A, %swap3A_38] : memref<128x1000xf32, #tpu.memory_space<vmem>>, vector<128x1000xf32>
    tpu.vector_store %arg11[%swap3A, %swap3A_38], %add3A_37 {strides = array<i32>} : memref<128x1000xf32, #tpu.memory_space<vmem>>, vector<128x1000xf32>,
    return
  }
  func.func @transform_0(%arg0: i32) -> (i32, i32) {
    %c0_i32 = arith.constant 0 : i32
    %c0_i32_0 = arith.constant 0 : i32
    return %arg0, %c0_i32 : i32, i32
  }
  func.func @transform_1(%arg0: i32) -> (i32, i32) {
    %c0_i32 = arith.constant 0 : i32
    %c0_i32_0 = arith.constant 0 : i32
    %c0_i32_1 = arith.constant 0 : i32
    return %c0_i32, %c0_i32_0 : i32, i32
  }
  func.func @transform_2(%arg0: i32) -> (i32, i32) {
    %c0_i32 = arith.constant 0 : i32
    %c0_i32_0 = arith.constant 0 : i32
    %c0_i32_1 = arith.constant 0 : i32
    return %c0_i32, %c0_i32_0 : i32, i32
  }
  func.func @transform_3(%arg0: i32) -> (i32, i32) {
    %c0_i32 = arith.constant 0 : i32
    %c0_i32_0 = arith.constant 0 : i32
    %c0_i32_1 = arith.constant 0 : i32
    return %c0_i32, %c0_i32_0 : i32, i32
  }
  func.func @transform_4(%arg0: i32) -> (i32, i32) {
    %c0_i32 = arith.constant 0 : i32
    %c0_i32_0 = arith.constant 0 : i32
    %c0_i32_1 = arith.constant 0 : i32
    return %c0_i32, %c0_i32_0 : i32, i32
  }
  func.func @transform_5(%arg0: i32) -> (i32, i32) {
    %c0_i32 = arith.constant 0 : i32
    %c0_i32_0 = arith.constant 0 : i32
    %c0_i32_1 = arith.constant 0 : i32
    return %c0_i32, %c0_i32_0 : i32, i32
  }
  func.func @transform_6(%arg0: i32) -> (i32, i32) {
    %c0_i32 = arith.constant 0 : i32
    %c0_i32_0 = arith.constant 0 : i32
    %c0_i32_1 = arith.constant 0 : i32
    return %c0_i32, %c0_i32_0 : i32, i32
  }
  func.func @transform_7(%arg0: i32) -> (i32, i32) {
    %c0_i32 = arith.constant 0 : i32
    %c0_i32_0 = arith.constant 0 : i32
    %c0_i32_1 = arith.constant 0 : i32
    return %c0_i32, %c0_i32_0 : i32, i32
  }
  func.func @transform_8(%arg0: i32) -> (i32, i32) {
    %c0_i32 = arith.constant 0 : i32
    %c0_i32_0 = arith.constant 0 : i32
    return %arg0, %c0_i32 : i32, i32
  }
  func.func @transform_9(%arg0: i32) -> (i32, i32) {
    %c0_i32 = arith.constant 0 : i32
    %c0_i32_0 = arith.constant 0 : i32
    %c0_i32_1 = arith.constant 0 : i32
    return %c0_i32, %c0_i32_0 : i32, i32
  }
  func.func @transform_10(%arg0: i32) -> (i32, i32) {
    %c0_i32 = arith.constant 0 : i32
    %c0_i32_0 = arith.constant 0 : i32
    return %arg0, %c0_i32 : i32, i32
  }
}

</mosaic_0001>

<sc_bundles>
// kernel: kernel.5.cloned.1.call-start
scs
__scs_entry_jumppad:
0x0: {  	(pc) =	sbr.rel $0x88, $3  }
0x1: {  	(tag) =	ssettag $0x0;
	lr =	simm.s32 $0x1  }
0x2: {  	[smem:$0x3F96] =	sst lr;
	_ =	strace $0xD0000000  }
0x3: {  	_ = 	snop  }
0x4: {  	_ = 	snop  }
0x5: {  	_ = 	snop  }
0x6: {  	_ = 	snop  }
0x7: {  	_ = 	snop  }
__scs_overlays_trampoline_lowered:
0x8: {  	[smem:$0x3FA5] =	sst s0  }
0x9: {  	[smem:$0x3FA6] =	sst s1  }
0xa: {  	[smem:$0x3FA7] =	sst s2  }
0xb: {  	[smem:$0x3FA8] =	sst s3  }
0xc: {  	[smem:$0x3FA9] =	sst s4  }
0xd: {  	[smem:$0x3FAA] =	sst s5  }
0xe: {  	[smem:$0x3FAB] =	sst s6  }
0xf: {  	[smem:$0x3FAC] =	sst s7  }
0x10: {  	[smem:$0x3FAD] =	sst s8  }
0x11: {  	[smem:$0x3FAE] =	sst s9;
	s0 =	simm.s32 @!p0 $0x0  }
0x12: {  	s1 =	sld [smem:$0x3F94];
	s0 =	simm.s32 @p0 $0x1  }
0x13: {  	[smem:$0x3FAF] =	sst s0;
	s0 =	simm.s32 @!p1 $0x0  }
0x14: {  	s2 =	sld [smem:$0x3F93];
	s0 =	simm.s32 @p1 $0x1  }
0x15: {  	[smem:$0x3FB0] =	sst s0;
	s0 =	simm.s32 @!p2 $0x0  }
0x16: {  	s3 =	sld [smem:$0x3FDB];
	s0 =	simm.s32 @p2 $0x1  }
0x17: {  	s4 =	simm.s32 $0x1BF5;
	[smem:$0x3FB2] =	sst s0  }
0x18: {  	s0 =	sld [smem:$0x3F95];
	_ =	swait.ge [sflag:s4], $0x0  }
0x19: {  	s7 =	sld [smem:$0x3F96]  }
0x1a: {  	s8 =	sadd.s32 $0xFFFFE003, lr  }
0x1b: {  	s9 =	sadd.s32 $0xFFFFFEF7, lr;
	s5 =	simm.s32 $0xFFFFFFFF;
	p2 =	slt.u32 s8, $0xFFFFF086  }
0x1c: {  	p1 =	slt.u32 s9, $0xF7A;
	s5 =	simm.s32 @!p2 $0x0  }
0x1d: {  	s5 =	simm.s32 @p1 $0x1;
	p0 =	seq.s32 s7, s2  }
0x1e: {  	s7 =	smul.u32 @!p0 $0xF7A, s2;
	p2 =	seq.s32 @!p0 s5, $0x0  }
0x1f: {  	s9 =	smul.u32 $0xF7A, s1;
	s8 =	simm.s32 @!p0 $0x1BF5;
	p2 =	por !p2, p0  }
0x20: {  	[sflag:s8] =	ssyncset.s32 @!p0 $0xFFFFF086;
	s6 =	sadd.s32 @!p0 s3, s7;
	s7 =	simm.s32 @!p0 $0x108  }
0x21: {  	s3 =	sadd.s32 s3, s9;
	s6 =	sadd.s32 @!p0 $0x88, s6;
	s7 =	simm.s32 @p2 $0x1082  }
0x22: {  	[simem:s7], [sflag:s8] =	dma.local @!p0 [hbm:s6], $0xF7A  }
0x23: {  	s9 =	sor.u32 $0xD0000000, s2;
	s6 =	simm.s32 $0x108;
	_ =	swait.ge @!p0 [sflag:s8], $0x0  }
0x24: {  	s3 =	sadd.s32 $0x88, s3;
	s6 =	simm.s32 @!p1 $0x1082;
	[sflag:s4] =	ssyncset.s32 $0xFFFFF086  }
0x25: {  	[simem:s6], [sflag:s4] =	dma.local [hbm:s3], $0xF7A  }
0x26: {  	[smem:$0x3F96] =	sst s1;
	(tag) =	ssettag s2;
	_ =	strace s9  }
0x27: {  	s1 =	sld [smem:$0x3FA6]  }
0x28: {  	s2 =	sld [smem:$0x3FA7]  }
0x29: {  	s4 =	sld [smem:$0x3FA9]  }
0x2a: {  	p0 =	seq.s32 s5, $0x0;
	s5 =	sld [smem:$0x3FAA]  }
0x2b: {  	s6 =	sld [smem:$0x3FAB]  }
0x2c: {  	s7 =	sld [smem:$0x3FAC]  }
0x2d: {  	s3 =	simm.s32 $0x108;
	s8 =	sld [smem:$0x3FAD]  }
0x2e: {  	s3 =	simm.s32 @!p0 $0x1082;
	s9 =	sld [smem:$0x3FAE]  }
0x2f: {  	lr =	sadd.s32 s0, s3;
	s0 =	sld [smem:$0x3FA5]  }
0x30: {  	s3 =	sld [smem:$0x3FA8]  }
0x31: {  	[smem:$0x3FB1] =	sst s10  }
0x32: {  	s10 =	sld [smem:$0x3FAF];
	_ =	sdelay $0x3  }
0x33: {  	p0 =	seq.s32 s10, $0x1;
	s10 =	sld [smem:$0x3FB1];
	_ =	sdelay $0x3  }
0x34: {  	[smem:$0x3FB1] =	sst s10  }
0x35: {  	s10 =	sld [smem:$0x3FB0];
	_ =	sdelay $0x3  }
0x36: {  	p1 =	seq.s32 s10, $0x1;
	s10 =	sld [smem:$0x3FB1];
	_ =	sdelay $0x3  }
0x37: {  	[smem:$0x3FB1] =	sst s10  }
0x38: {  	s10 =	sld [smem:$0x3FB2]  }
0x39: {  	_ = 	snop;
	(pc) =	sbr.ind lr, $3  }
0x3a: {  	_ = 	snop  }
0x3b: {  	_ = 	snop  }
0x3c: {  	p2 =	seq.s32 s10, $0x1;
	s10 =	sld [smem:$0x3FB1]  }
0x3d: {  	_ =	shalt  }
0x3e: {  	_ =	shalt  }
0x3f: {  	_ =	shalt  }
0x40: {  	_ =	shalt  }
0x41: {  	_ =	shalt  }
0x42: {  	_ =	shalt  }
0x43: {  	_ =	shalt  }
0x44: {  	_ =	shalt  }
0x45: {  	_ =	shalt  }
0x46: {  	_ =	shalt  }
0x47: {  	_ =	shalt  }
0x48: {  	_ =	shalt  }
0x49: {  	_ =	shalt  }
0x4a: {  	_ =	shalt  }
0x4b: {  	_ =	shalt  }
0x4c: {  	_ =	shalt  }
0x4d: {  	_ =	shalt  }
0x4e: {  	_ =	shalt  }
0x4f: {  	_ =	shalt  }
0x50: {  	_ =	shalt  }
0x51: {  	_ =	shalt  }
0x52: {  	_ =	shalt  }
0x53: {  	_ =	shalt  }
0x54: {  	_ =	shalt  }
0x55: {  	_ =	shalt  }
0x56: {  	_ =	shalt  }
0x57: {  	_ =	shalt  }
0x58: {  	_ =	shalt  }
0x59: {  	_ =	shalt  }
0x5a: {  	_ =	shalt  }
0x5b: {  	_ =	shalt  }
0x5c: {  	_ =	shalt  }
0x5d: {  	_ =	shalt  }
0x5e: {  	_ =	shalt  }
0x5f: {  	_ =	shalt  }
0x60: {  	_ =	shalt  }
0x61: {  	_ =	shalt  }
0x62: {  	_ =	shalt  }
0x63: {  	_ =	shalt  }
0x64: {  	_ =	shalt  }
0x65: {  	_ =	shalt  }
0x66: {  	_ =	shalt  }
0x67: {  	_ =	shalt  }
0x68: {  	_ =	shalt  }
0x69: {  	_ =	shalt  }
0x6a: {  	_ =	shalt  }
0x6b: {  	_ =	shalt  }
0x6c: {  	_ =	shalt  }
0x6d: {  	_ =	shalt  }
0x6e: {  	_ =	shalt  }
0x6f: {  	_ =	shalt  }
0x70: {  	_ =	shalt  }
0x71: {  	_ =	shalt  }
0x72: {  	_ =	shalt  }
0x73: {  	_ =	shalt  }
0x74: {  	_ =	shalt  }
0x75: {  	_ =	shalt  }
0x76: {  	_ =	shalt  }
0x77: {  	_ =	shalt  }
0x78: {  	_ =	shalt  }
0x79: {  	_ =	shalt  }
0x7a: {  	_ =	shalt  }
0x7b: {  	_ =	shalt  }
0x7c: {  	_ =	shalt  }
0x7d: {  	_ =	shalt  }
0x7e: {  	_ =	shalt  }
0x7f: {  	_ =	shalt  }
0x80: {  	_ =	shalt  }
0x81: {  	_ =	shalt  }
0x82: {  	_ =	shalt  }
0x83: {  	_ =	shalt  }
0x84: {  	_ =	shalt  }
0x85: {  	_ =	shalt  }
0x86: {  	_ =	shalt  }
0x87: {  	_ =	shalt  }
.Lfunc_end0:
.L_simem_size_0:
called_computation_lowered:
.L_overlay_start_0:
0x88: {  	s2 =	sld [smem:$0x3FD9]  }
0x89: {  	s3 =	sld [smem:$0x3FFE];
	_ =	sdelay $0x1  }
0x8a: {  	s1 =	srdreg.scid  }
0x8b: {  	s0 =	sand.u32 $0x1, s1  }
0x8c: {  	s17 =	sshll.u32 s0, $0xA;
	s2 =	sadd.s32 s3, s2  }
0x8d: {  	s2 =	sadd.s32 s2, s17  }
0x8e: {  	[smem:$0x3FBD] =	sst s2  }
0x8f: {  	_ = 	snop  }
0x90: {  	s2 =	sld [smem:$0x3FD0];
	(tm) =	ssettm $0x1  }
0x91: {  	s18 =	sld [smem:$0x3FFB];
	_ =	sdelay $0x3  }
0x92: {  	_ =	strace s18  }
0x93: {  	s3 =	sld [smem:$0x3FFC];
	_ =	sdelay $0x3  }
0x94: {  	_ =	strace s3  }
0x95: {  	s3 =	sld [smem:$0x3FFD];
	_ =	sdelay $0x3  }
0x96: {  	_ =	strace s3  }
0x97: {  	_ =	strace $0x8FFFFFFF  }
0x98: {  	s19 =	sld [smem:$0x3FDB];
	_ =	sdelay $0x1  }
0x99: {  	s4 =	simm.s32 $_scs_section_size  }
0x9a: {  	s5 =	simm.s32 $_size__tile_overlayer_lowered;
	s6 =	simm.s32 $_tile_overlayer_lowered  }
0x9b: {  	s22 =	simm.s32 $0x1BFF;
	s21 =	sshll.u32 s6, $0x1;
	s3 =	sadd.s32 s4, s19  }
0x9c: {  	s7 =	simm.s32 $0x0;
	s20 =	sshll.u32 s5, $0x1;
	s5 =	sadd.s32 s21, s3  }
0x9d: {  	[timem:s7], [sflag:s22] =	dma.local [hbm:s5], s20  }
0x9e: {  	_ =	swait.ge [sflag:s22], s20  }
0x9f: {  	s4 =	ssub.s32 $0x0, s20;
	[sflag:s22] =	ssyncset.done $0x0  }
0xa0: {  	[sflag:s22] =	ssyncadd.s32 s4;
	_ =	sdelay $0x1  }
0xa1: {  	s23 =	simm.s32 $0x1B8B  }
0xa2: {  	_ =	swait.ge [sflag:s23], $0x1  }
0xa3: {  	[sflag:s23] =	ssyncset.done $0x0  }
0xa4: {  	s25 =	simm.s32 $0x1B8E;
	s24 =	sld [smem:$0x3FFE];
	[sflag:s23] =	ssyncadd.s32 $0xFFFFFFFF  }
0xa5: {  	s26 =	simm.s32 $execute0_lowered;
	[smem:$0x3FD2] =	sst s25  }
0xa6: {  	s5 =	sshll.u32 s26, $0x1;
	_ =	strace $0x80000046;
	[dreg:$0x1] =	wrdreg $0xFFFFFFFF  }
0xa7: {  	s28 =	simm.s32 $_size_execute0_lowered;
	s3 =	sadd.s32 s3, s5;
	[dreg:$0x0] =	wrdreg $0x0  }
0xa8: {  	s5 =	sshll.u32 s28, $0x1;
	[dreg:$0x2] =	wrdreg s3  }
0xa9: {  	[dreg:$0x3] =	wrdreg s5  }
0xaa: {  	[dreg:$0x4] =	wrdreg $0xC0  }
0xab: {  	_ =	task [dreg:s7], $0x5FFFF  }
0xac: {  	[dreg:$0x1] =	wrdreg $0xFFFFFFFF  }
0xad: {  	[dreg:$0x0] =	wrdreg $0x60  }
0xae: {  	[dreg:$0x2] =	wrdreg s24  }
0xaf: {  	[dreg:$0x3] =	wrdreg s2  }
0xb0: {  	[dreg:$0x4] =	wrdreg $0x9  }
0xb1: {  	_ =	task.clear_ibuf [dreg:s7], $0x5FFFF;
	_ =	strace $0x90000046  }
0xb2: {  	s29 =	simm.s32 $0x9;
	_ =	strace $0x80000048  }
0xb3: {  	_ =	swait.ge [sflag:s29], $0x1  }
0xb4: {  	[sflag:s29] =	ssyncadd.s32 $0xFFFFFFFF  }
0xb5: {  	_ =	strace $0x90000048  }
0xb6: {  	_ =	sfence  }
0xb7: {  	s30 =	sld [smem:$0x0];
	_ =	sdelay $0x2  }
0xb8: {  	s31 =	sshll.u32 s1, $0xD;
	s1 =	sshrl.u32 s1, $0x2  }
0xb9: {  	s3 =	sand.u32 $0x4000, s31;
	s1 =	sadd.s32 s1, s30  }
0xba: {  	s0 =	sor.u32 s3, s0;
	s1 =	sshll.u32 s1, $0x11  }
0xbb: {  	s0 =	sor.u32 s1, s0  }
0xbc: {  	s0 =	sadd.s32 $0x8F2B, s0  }
0xbd: {  	[sflag:s0] =	ssyncadd.remote.s32 $0x1  }
0xbe: {  	_ =	sfence.sel $0xFFFF  }
0xbf: {  	[dreg:$0x0] =	wrdreg $0xFFFFFFFF;
	(pc) =	sbr.abs _section_cstart, $3  }
0xc0: {  	[dreg:$0x1] =	wrdreg $0xFFFFFFFF  }
0xc1: {  	_ =	task.clear_ibuf [dreg:s7], $0x2FFFF;
	_ =	strace $0x9FFFFFFF  }
0xc2: {  	(tm) =	ssettm $0x7FFFFFFF  }
0xc3: {  	_ =	shalt  }
tec
execute0_lowered:
.L_overlay_start_1:
0x0: {  	(tag) =	ssettag $0x1  }
0x1: {  	s4 =	rddreg [dreg:$0x0];
	s1 =	srdreg.scid  }
0x2: {  	s0 =	stileid.u32;
	s8 =	rddreg [dreg:$0x1];
	s2 =	simm.s32 $0x0  }
0x3: {  	s11 =	simm.s32 $0x190;
	s12 =	simm.s32 $0x400;
	s13 =	simm.s32 $0xCC00  }
0x4: {  	s14 =	simm.s32 $0x1;
	s15 =	simm.s32 $0x2;
	s6 =	smul.u32 $0x3200, s0  }
0x5: {  	s5 =	sand.u32 $0x1, s1;
	s1 =	rddreg [dreg:$0x2];
	s9 =	smul.u32 $0x32000, s0  }
0x6: {  	s16 =	simm.s32 $0x0;
	[smem:$0x7FF] =	sst s2;
	s7 =	smul.u32 $0x1900, s5  }
0x7: {  	s3 =	sadd.s32 $0x317000, s4;
	s10 =	smul.u32 $0x19000, s5;
	s5 =	ssub.s32 $0x2, s5  }
0x8: {  	_ =	strace $0x80000047;
	s28 =	sadd.s32 s9, s4;
	s30 =	sshrl.u32 s5, $0x1  }
0x9: {  	s9 =	simm.s32 $0x3;
	s6 =	sadd.s32 s7, s6;
	s7 =	sadd.s32 s10, s28  }
0xa: {  	s5 =	ssub.s32 s5, s30;
	s10 =	simm.s32 $0x200;
	s29 =	sshrl.u32 s6, $0x3  }
0xb: {  	s5 =	smax.u32 s5, $0x1;
	s6 =	sadd.s32 $0x7BDA00, s7;
	s31 =	sadd.s32 s29, s4  }
0xc: {  	s4 =	sadd.s32 $0x49DA00, s7;
	s8 =	sadd.s32 s29, s8;
	s7 =	sadd.s32 $0x310C00, s31  }
.LBB2_1:
0xd: {  	s17 =	sadd.s32 $0x0, s8  }
0xe: {  	[tilespmem:s2], [sflag:$0x3] =	stream.linear.gather [hbm4b:s17+s2], $0x190, $0x38;
	[tilespmem:$0x19400] =	vst v63  }
0xf: {  	_ =	swait.ge [sflag:s9], $0x190  }
0x10: {  	[sflag:s9] =	ssyncset.done $0x0  }
0x11: {  	s31 =	sadd.s32 $0x0, s7;
	[sflag:s9] =	ssyncadd.s32 $0xFFFFFE70  }
0x12: {  	[tilespmem:s10], [sflag:$0x3] =	stream.linear.gather [hbm4b:s31+s2], $0x190, $0x38;
	[tilespmem:$0x19400] =	vst v63  }
0x13: {  	_ =	swait.ge [sflag:s9], $0x190  }
0x14: {  	[sflag:s9] =	ssyncset.done $0x0  }
0x15: {  	[sflag:s9] =	ssyncadd.s32 $0xFFFFFE70  }
0x16: {  	[tilespmem:s12], [sflag:$0x1] =	stream.indirect.gather [hbm4b:s3+s11], $0x80, s2, s11, $0xb8;
	[tilespmem:$0x19400] =	vst v63  }
0x17: {  	_ = 	snop  }
0x18: {  	[tilespmem:s13], [sflag:$0x2] =	stream.indirect.gather [hbm4b:s3+s11], $0x80, s10, s11, $0xb8;
	[tilespmem:$0x19400] =	vst v63  }
0x19: {  	_ =	swait.ge [sflag:s14], $0xC800  }
0x1a: {  	[sflag:s14] =	ssyncset.done $0x0  }
0x1b: {  	[sflag:s14] =	ssyncadd.s32 $0xFFFF3800  }
0x1c: {  	_ =	swait.ge [sflag:s15], $0xC800  }
0x1d: {  	[sflag:s15] =	ssyncset.done $0x0  }
0x1e: {  	[sflag:s15] =	ssyncadd.s32 $0xFFFF3800  }
0x1f: {  	[hbm4b:s4+s2] =	stream.linear.scatter [tilespmem:s12], [sflag:$0x3], $0xC800, $0x38;
	[tilespmem:$0x19400] =	vst v63  }
0x20: {  	_ =	swait.ge [sflag:s9], $0xC800  }
0x21: {  	[sflag:s9] =	ssyncset.done $0x0  }
0x22: {  	[sflag:s9] =	ssyncadd.s32 $0xFFFF3800  }
0x23: {  	[hbm4b:s6+s2] =	stream.linear.scatter [tilespmem:s13], [sflag:$0x3], $0xC800, $0x38;
	[tilespmem:$0x19400] =	vst v63  }
0x24: {  	s19 =	simm.s32 $0x32;
	s20 =	simm.s32 $0x64;
	_ =	swait.ge [sflag:s9], $0xC800  }
0x25: {  	s18 =	sadd.s32 $0x1900, s4;
	s17 =	sadd.s32 $0x1900, s6;
	[sflag:s9] =	ssyncset.done $0x0  }
.LBB2_2:
0x26: {  	s21 =	sadd.s32 s19, s8  }
0x27: {  	[sflag:s9] =	ssyncadd.s32 $0xFFFF3800;
	s22 =	smov.u32 s20;
	s23 =	sadd.s32 $0x32, s20  }
0x28: {  	[tilespmem:s2], [sflag:$0x3] =	stream.linear.gather [hbm4b:s21+s2], $0x190, $0x38;
	[tilespmem:$0x19400] =	vst v63  }
0x29: {  	p0 =	sne.s32 s20, $0x2EE;
	_ =	swait.ge [sflag:s9], $0x190  }
0x2a: {  	[sflag:s9] =	ssyncset.done $0x0  }
0x2b: {  	s20 =	sadd.s32 s19, s7;
	s19 =	smov.u32 s22;
	[sflag:s9] =	ssyncadd.s32 $0xFFFFFE70  }
0x2c: {  	[tilespmem:s10], [sflag:$0x3] =	stream.linear.gather [hbm4b:s20+s2], $0x190, $0x38;
	[tilespmem:$0x19400] =	vst v63  }
0x2d: {  	_ =	swait.ge [sflag:s9], $0x190  }
0x2e: {  	[sflag:s9] =	ssyncset.done $0x0  }
0x2f: {  	[sflag:s9] =	ssyncadd.s32 $0xFFFFFE70  }
0x30: {  	[tilespmem:s12], [sflag:$0x1] =	stream.indirect.gather [hbm4b:s3+s11], $0x80, s2, s11, $0xb8;
	[tilespmem:$0x19400] =	vst v63  }
0x31: {  	_ = 	snop  }
0x32: {  	[tilespmem:s13], [sflag:$0x2] =	stream.indirect.gather [hbm4b:s3+s11], $0x80, s10, s11, $0xb8;
	[tilespmem:$0x19400] =	vst v63  }
0x33: {  	_ =	swait.ge [sflag:s14], $0xC800  }
0x34: {  	[sflag:s14] =	ssyncset.done $0x0  }
0x35: {  	[sflag:s14] =	ssyncadd.s32 $0xFFFF3800  }
0x36: {  	_ =	swait.ge [sflag:s15], $0xC800  }
0x37: {  	[sflag:s15] =	ssyncset.done $0x0  }
0x38: {  	[sflag:s15] =	ssyncadd.s32 $0xFFFF3800  }
0x39: {  	[hbm4b:s18+s2] =	stream.linear.scatter [tilespmem:s12], [sflag:$0x3], $0xC800, $0x38;
	[tilespmem:$0x19400] =	vst v63  }
0x3a: {  	_ =	swait.ge [sflag:s9], $0xC800  }
.Ltmp0:
0x3b: {  	[sflag:s9] =	ssyncset.done $0x0;
	(pc) =	sbr.rel @p0 .LBB2_2-.Ltmp0, $4  }
0x3c: {  	[sflag:s9] =	ssyncadd.s32 $0xFFFF3800  }
0x3d: {  	[hbm4b:s17+s2] =	stream.linear.scatter [tilespmem:s13], [sflag:$0x3], $0xC800, $0x38;
	[tilespmem:$0x19400] =	vst v63  }
0x3e: {  	s20 =	smov.u32 s23;
	_ =	swait.ge [sflag:s9], $0xC800  }
0x3f: {  	s18 =	sadd.s32 $0x1900, s18;
	s17 =	sadd.s32 $0x1900, s17;
	[sflag:s9] =	ssyncset.done $0x0  }
0x40: {  	s20 =	sadd.s32 s19, s8;
	[sflag:s9] =	ssyncadd.s32 $0xFFFF3800  }
0x41: {  	[tilespmem:s2], [sflag:$0x3] =	stream.linear.gather [hbm4b:s20+s2], $0x190, $0x38;
	[tilespmem:$0x19400] =	vst v63  }
0x42: {  	_ =	swait.ge [sflag:s9], $0x190  }
0x43: {  	[sflag:s9] =	ssyncset.done $0x0  }
0x44: {  	s31 =	sadd.s32 s19, s7;
	[sflag:s9] =	ssyncadd.s32 $0xFFFFFE70  }
0x45: {  	[tilespmem:s10], [sflag:$0x3] =	stream.linear.gather [hbm4b:s31+s2], $0x190, $0x38;
	[tilespmem:$0x19400] =	vst v63  }
0x46: {  	_ =	swait.ge [sflag:s9], $0x190  }
0x47: {  	[sflag:s9] =	ssyncset.done $0x0  }
0x48: {  	[sflag:s9] =	ssyncadd.s32 $0xFFFFFE70  }
0x49: {  	[tilespmem:s12], [sflag:$0x1] =	stream.indirect.gather [hbm4b:s3+s11], $0x80, s2, s11, $0xb8;
	[tilespmem:$0x19400] =	vst v63  }
0x4a: {  	_ = 	snop  }
0x4b: {  	[tilespmem:s13], [sflag:$0x2] =	stream.indirect.gather [hbm4b:s3+s11], $0x80, s10, s11, $0xb8;
	[tilespmem:$0x19400] =	vst v63  }
0x4c: {  	_ =	swait.ge [sflag:s14], $0xC800  }
0x4d: {  	[sflag:s14] =	ssyncset.done $0x0  }
0x4e: {  	[sflag:s14] =	ssyncadd.s32 $0xFFFF3800  }
0x4f: {  	_ =	swait.ge [sflag:s15], $0xC800  }
0x50: {  	[sflag:s15] =	ssyncset.done $0x0  }
0x51: {  	[sflag:s15] =	ssyncadd.s32 $0xFFFF3800  }
0x52: {  	[hbm4b:s18+s2] =	stream.linear.scatter [tilespmem:s12], [sflag:$0x3], $0xC800, $0x38;
	[tilespmem:$0x19400] =	vst v63  }
0x53: {  	s16 =	sadd.s32 $0x1, s16;
	_ =	swait.ge [sflag:s9], $0xC800  }
0x54: {  	p0 =	sne.s32 s16, s5;
	[sflag:s9] =	ssyncset.done $0x0  }
.Ltmp1:
0x55: {  	[sflag:s9] =	ssyncadd.s32 $0xFFFF3800;
	(pc) =	sbr.rel @p0 .LBB2_1-.Ltmp1, $4  }
0x56: {  	[hbm4b:s17+s2] =	stream.linear.scatter [tilespmem:s13], [sflag:$0x3], $0xC800, $0x38;
	[tilespmem:$0x19400] =	vst v63  }
0x57: {  	_ =	swait.ge [sflag:s9], $0xC800  }
0x58: {  	[sflag:s9] =	ssyncset.done $0x0  }
0x59: {  	[sflag:s9] =	ssyncadd.s32 $0xFFFF3800  }
0x5a: {  	_ =	sfence.sel $0x180000  }
0x5b: {  	[bflag:$0x0] =	sbarrier.arrive $0xFFFF  }
0x5c: {  	p0 =	sne.s32 s0, $0x0;
	_ =	strace $0x90000047  }
0x5d: {  	s0 =	sadd.s32 @!p0 $0x100000, s1;
	[bflag:$0x2] =	sbarrier.arrive $0xFFFF  }
0x5e: {  	[sflag:s0] =	ssyncadd.tile.s32 @!p0 $0x1;
	_ =	shalt  }
.Lfunc_end2:
_tile_overlayer_lowered:
.L_overlay_start_2:
0x5f: {  	(tag) =	ssettag $0x2  }
0x60: {  	s0 =	rddreg [dreg:$0x0];
	s2 =	stileid.u32  }
0x61: {  	s1 =	rddreg [dreg:$0x1];
	p0 =	sne.s32 s2, $0x0  }
0x62: {  	s3 =	rddreg [dreg:$0x2];
	[bflag:$0x3] =	sbarrier.arrive $0xFFFF;
	s2 =	simm.s32 @!p0 $0x1C03  }
0x63: {  	[timem:s3], [sflag:s2] =	dma.local @!p0 [hbm:s0], s1  }
0x64: {  	s0 =	simm.s32 @!p0 $0x3  }
0x65: {  	_ =	swait.ge @!p0 [sflag:s0], s1  }
0x66: {  	s1 =	ssub.s32 @!p0 $0x0, s1;
	[sflag:s0] =	ssyncset.done @!p0 $0x0  }
0x67: {  	[sflag:s0] =	ssyncadd.s32 @!p0 s1  }
0x68: {  	[bflag:$0x3] =	sbarrier.arrive $0xFFFF  }
0x69: {  	_ =	shalt  }

</sc_bundles>
